<compile_context>
chip_gen: v7x
topology: tpu7x:2x2x1
jax: 0.10.2.dev20260603
libtpu: 0.0.44.dev20260713+nightly
codegen_flags: <defaults>
</compile_context>

<pallas_src>
import functools
import math

import jax
import jax.numpy as jnp
from jax import lax
from jax.experimental import pallas as pl
from jax.experimental.pallas import tpu as pltpu
from jax.experimental.pallas import tpu_sc as plsc

_V = 8192
_N = 8192
_SMOOTH = 0.1
_CONF = 1.0 - _SMOOTH
_PAD = 1
_EPS = _SMOOTH / (_V - 1)
_C = _CONF * math.log(_CONF) + _SMOOTH * math.log(_EPS)
_BLK = 256

_NW = 32
_CHUNK = _N // _NW
_L = 16


def _tc_kernel(t_ref, x_ref, sum_ref):
    i = pl.program_id(0)

    @pl.when(i == 0)
    def _():
        sum_ref[0, 0] = 0.0

    xb = x_ref[...]
    t = t_ref[0, 0, :]
    m = jnp.max(xb, axis=1, keepdims=True)
    s = jnp.sum(jnp.exp(xb - m), axis=1)
    lse = m[:, 0] + jnp.log(s)
    sum_x = jnp.sum(xb, axis=1)
    idx = jax.lax.broadcasted_iota(jnp.int32, xb.shape, 1)
    x_t = jnp.sum(jnp.where(idx == t[:, None], xb, 0.0), axis=1)
    keep = (t != _PAD).astype(jnp.float32)
    per = _C + lse - _EPS * sum_x - (_CONF - _EPS) * x_t
    sum_ref[0, 0] += jnp.sum(per * keep)


def _sc_kernel(t_hbm, cnt_out, t_v, sc_v, sem):
    wid = lax.axis_index("s") * 2 + lax.axis_index("c")
    base = wid * _CHUNK
    pltpu.sync_copy(t_hbm.at[pl.ds(base, _CHUNK)], t_v)
    cnt = jnp.zeros((_L,), jnp.float32)
    for j in range(_CHUNK // _L):
        keep = t_v[pl.ds(j * _L, _L)] != _PAD
        cnt = cnt + jnp.where(keep, 1.0, 0.0)
    sc_v[...] = cnt
    pltpu.sync_copy(sc_v, cnt_out.at[pl.ds(wid * _L, _L)])


@jax.jit
def kernel(x, target):
    xf = x.reshape(-1, _V)
    n = xf.shape[0]
    nblk = n // _BLK
    t32 = target.reshape(-1).astype(jnp.int32)
    t3d = t32.reshape(nblk, 1, _BLK)

    mesh = plsc.VectorSubcoreMesh(core_axis_name="c", subcore_axis_name="s")
    sc_call = functools.partial(
        pl.kernel, mesh=mesh,
        out_type=jax.ShapeDtypeStruct((_NW * _L,), jnp.float32),
        scratch_types=[
            pltpu.VMEM((_CHUNK,), jnp.int32),
            pltpu.VMEM((_L,), jnp.float32),
            pltpu.SemaphoreType.DMA,
        ],
    )(_sc_kernel)
    cnt_parts = sc_call(t32)

    tc_sum = pl.pallas_call(
        _tc_kernel,
        grid=(nblk,),
        in_specs=[
            pl.BlockSpec((1, 1, _BLK), lambda i: (i, 0, 0)),
            pl.BlockSpec((_BLK, _V), lambda i: (i, 0)),
        ],
        out_specs=pl.BlockSpec(memory_space=pltpu.SMEM),
        out_shape=jax.ShapeDtypeStruct((1, 1), jnp.float32),
    )(t3d, xf)

    return tc_sum[0, 0] / jnp.sum(cnt_parts)

# --- scband reference (transcript-rebuilt; emitter-appended) ---
"""Pipeline reference for scband-label-smoothing-loss-16836271801074 (READ-ONLY COPY).

The authoritative reference and input builder live on the scoring server;
editing this copy changes nothing except your own understanding.
"""

import jax, jax.numpy as jnp
import numpy as np

SIZE = 8192
SMOOTHING = 0.1
CONFIDENCE = 1.0 - SMOOTHING
PADDING_IDX = 1


def setup_inputs(seed: int = 0) -> dict:
    key = jax.random.key(seed)
    k1, k2 = jax.random.split(key)
    x = jax.random.normal(k1, (4, 2048, SIZE), dtype=jnp.float32)
    target = jax.random.randint(k2, (4, 2048), 0, SIZE, dtype=jnp.int64)
    return {"x": x, "target": target}


def reference(x, target):
    assert x.shape[2] == SIZE
    batch_size = x.shape[0]
    xf = x.reshape(-1, SIZE)
    t = target.reshape(-1)
    n_tok = t.shape[0]
    ignore = t == PADDING_IDX
    total = n_tok - jnp.sum(ignore)
    t_safe = jnp.where(ignore, 0, t)
    # true_dist: smoothing mass everywhere, confidence at the target class
    true_dist = jnp.full((n_tok, SIZE), SMOOTHING / (SIZE - 1), dtype=xf.dtype)
    true_dist = true_dist.at[jnp.arange(n_tok), t_safe].set(CONFIDENCE)
    logp = jax.nn.log_softmax(xf, axis=1)
    # torch.nn.KLDivLoss(reduction='none'): target * (log(target) - input)
    kl = true_dist * (jnp.log(true_dist) - logp)
    kl = jnp.where(ignore[:, None], 0.0, kl)
    denom = total.astype(xf.dtype)  # normalize_length=True
    return jnp.sum(kl) / denom

if __name__ == "__main__":
    import jax
    _d = setup_inputs()
    print(jax.jit(kernel)(*tuple(_d.values())))

</pallas_src>

<mosaic_0001>
#map = affine_map<(d0, d1) -> (0)>
module attributes {stable_mosaic.version = 14 : i64} {
  func.func @_sc_kernel(%arg0: i32, %arg1: i32, %arg2: memref<8192xi32, #tpu.memory_space<hbm>>, %arg3: memref<512xf32, #tpu.memory_space<hbm>>, %arg4: memref<256xi32, #tpu.memory_space<vmem>>, %arg5: memref<16xf32, #tpu.memory_space<vmem>>, %arg6: memref<!tpu.dma_semaphore, #tpu.memory_space<semaphore_mem>>) attributes {dimension_semantics = [#tpu.dimension_semantics<core_parallel>, #tpu.dimension_semantics<subcore_parallel>], iteration_bounds = array<i64: 2, 16>, scalar_prefetch = 0 : i64, scratch_operands = 3 : i64, tpu.core_type = #tpu.core_type<sc_vector_subcore>, window_params = [{transform_indices = #map}, {transform_indices = #map}]} {
    %mul3A = arith.constant 2 : i32
    %mul3A_0 = arith.muli %arg1, %mul3A : i32
    %add3A = arith.addi %mul3A_0, %arg0 : i32
    %mul3A_1 = arith.constant 256 : i32
    %mul3A_2 = arith.muli %add3A, %mul3A_1 : i32
    "tpu.region"() ({
      %run_scoped3A = tpu.sem_alloc : memref<!tpu.dma_semaphore, #tpu.memory_space<semaphore_mem>>
      %dma_start3A = tpu.memref_slice %arg2[%mul3A_2] : memref<8192xi32, #tpu.memory_space<hbm>> -> memref<256xi32, #tpu.memory_space<hbm>>
      %dma_start3A_197 = tpu.memref_slice %arg2[%mul3A_2] : memref<8192xi32, #tpu.memory_space<hbm>> -> memref<256xi32, #tpu.memory_space<hbm>>
      tpu.enqueue_dma source(%dma_start3A_197 : memref<256xi32, #tpu.memory_space<hbm>>) target(%arg4 : memref<256xi32, #tpu.memory_space<vmem>>) target_semaphore(%run_scoped3A : memref<!tpu.dma_semaphore, #tpu.memory_space<semaphore_mem>>)
      %dma_wait3A = tpu.memref_slice %arg2[%mul3A_2] : memref<8192xi32, #tpu.memory_space<hbm>> -> memref<256xi32, #tpu.memory_space<hbm>>
      %dma_wait3A_198 = tpu.memref_slice %arg2[%mul3A_2] : memref<8192xi32, #tpu.memory_space<hbm>> -> memref<256xi32, #tpu.memory_space<hbm>>
      tpu.wait_dma2 semaphore(%run_scoped3A : memref<!tpu.dma_semaphore, #tpu.memory_space<semaphore_mem>>) src(%dma_wait3A_198 : memref<256xi32, #tpu.memory_space<hbm>>) dst(%arg4 : memref<256xi32, #tpu.memory_space<vmem>>)
      tpu.yield
    }) : () -> ()
    %broadcast_in_dim3A = arith.constant 0.000000e+00 : f32
    %broadcast_in_dim3A_3 = vector.broadcast %broadcast_in_dim3A : f32 to vector<16xf32>
    %get3A = arith.constant 0 : index
    %get3A_4 = tpu.vector_load %arg4[%get3A] {strides = array<i32>} : memref<256xi32, #tpu.memory_space<vmem>>, vector<16xi32>,
    %get3A_5 = vector.shape_cast %get3A_4 : vector<16xi32> to vector<16xi32>
    %ne3A = arith.constant 1 : i32
    %ne3A_6 = vector.broadcast %ne3A : i32 to vector<16xi32>
    %ne3A_7 = arith.cmpi ne, %get3A_5, %ne3A_6 : vector<16xi32>
    %jit3A = arith.constant 1.000000e+00 : f32
    %jit3A_8 = arith.constant 0.000000e+00 : f32
    %broadcast_in_dim3A_9 = vector.broadcast %jit3A : f32 to vector<16xf32>
    %broadcast_in_dim3A_10 = vector.broadcast %jit3A_8 : f32 to vector<16xf32>
    %select_n3A = arith.select %ne3A_7, %broadcast_in_dim3A_9, %broadcast_in_dim3A_10 : vector<16xi1>, vector<16xf32>
    %add3A_11 = arith.addf %broadcast_in_dim3A_3, %select_n3A : vector<16xf32>
    %get3A_12 = arith.constant 16 : index
    %get3A_13 = tpu.vector_load %arg4[%get3A_12] {strides = array<i32>} : memref<256xi32, #tpu.memory_space<vmem>>, vector<16xi32>,
    %get3A_14 = vector.shape_cast %get3A_13 : vector<16xi32> to vector<16xi32>
    %ne3A_15 = arith.constant 1 : i32
    %ne3A_16 = vector.broadcast %ne3A_15 : i32 to vector<16xi32>
    %ne3A_17 = arith.cmpi ne, %get3A_14, %ne3A_16 : vector<16xi32>
    %jit3A_18 = arith.constant 1.000000e+00 : f32
    %jit3A_19 = arith.constant 0.000000e+00 : f32
    %broadcast_in_dim3A_20 = vector.broadcast %jit3A_18 : f32 to vector<16xf32>
    %broadcast_in_dim3A_21 = vector.broadcast %jit3A_19 : f32 to vector<16xf32>
    %select_n3A_22 = arith.select %ne3A_17, %broadcast_in_dim3A_20, %broadcast_in_dim3A_21 : vector<16xi1>, vector<16xf32>
    %add3A_23 = arith.addf %add3A_11, %select_n3A_22 : vector<16xf32>
    %get3A_24 = arith.constant 32 : index
    %get3A_25 = tpu.vector_load %arg4[%get3A_24] {strides = array<i32>} : memref<256xi32, #tpu.memory_space<vmem>>, vector<16xi32>,
    %get3A_26 = vector.shape_cast %get3A_25 : vector<16xi32> to vector<16xi32>
    %ne3A_27 = arith.constant 1 : i32
    %ne3A_28 = vector.broadcast %ne3A_27 : i32 to vector<16xi32>
    %ne3A_29 = arith.cmpi ne, %get3A_26, %ne3A_28 : vector<16xi32>
    %jit3A_30 = arith.constant 1.000000e+00 : f32
    %jit3A_31 = arith.constant 0.000000e+00 : f32
    %broadcast_in_dim3A_32 = vector.broadcast %jit3A_30 : f32 to vector<16xf32>
    %broadcast_in_dim3A_33 = vector.broadcast %jit3A_31 : f32 to vector<16xf32>
    %select_n3A_34 = arith.select %ne3A_29, %broadcast_in_dim3A_32, %broadcast_in_dim3A_33 : vector<16xi1>, vector<16xf32>
    %add3A_35 = arith.addf %add3A_23, %select_n3A_34 : vector<16xf32>
    %get3A_36 = arith.constant 48 : index
    %get3A_37 = tpu.vector_load %arg4[%get3A_36] {strides = array<i32>} : memref<256xi32, #tpu.memory_space<vmem>>, vector<16xi32>,
    %get3A_38 = vector.shape_cast %get3A_37 : vector<16xi32> to vector<16xi32>
    %ne3A_39 = arith.constant 1 : i32
    %ne3A_40 = vector.broadcast %ne3A_39 : i32 to vector<16xi32>
    %ne3A_41 = arith.cmpi ne, %get3A_38, %ne3A_40 : vector<16xi32>
    %jit3A_42 = arith.constant 1.000000e+00 : f32
    %jit3A_43 = arith.constant 0.000000e+00 : f32
    %broadcast_in_dim3A_44 = vector.broadcast %jit3A_42 : f32 to vector<16xf32>
    %broadcast_in_dim3A_45 = vector.broadcast %jit3A_43 : f32 to vector<16xf32>
    %select_n3A_46 = arith.select %ne3A_41, %broadcast_in_dim3A_44, %broadcast_in_dim3A_45 : vector<16xi1>, vector<16xf32>
    %add3A_47 = arith.addf %add3A_35, %select_n3A_46 : vector<16xf32>
    %get3A_48 = arith.constant 64 : index
    %get3A_49 = tpu.vector_load %arg4[%get3A_48] {strides = array<i32>} : memref<256xi32, #tpu.memory_space<vmem>>, vector<16xi32>,
    %get3A_50 = vector.shape_cast %get3A_49 : vector<16xi32> to vector<16xi32>
    %ne3A_51 = arith.constant 1 : i32
    %ne3A_52 = vector.broadcast %ne3A_51 : i32 to vector<16xi32>
    %ne3A_53 = arith.cmpi ne, %get3A_50, %ne3A_52 : vector<16xi32>
    %jit3A_54 = arith.constant 1.000000e+00 : f32
    %jit3A_55 = arith.constant 0.000000e+00 : f32
    %broadcast_in_dim3A_56 = vector.broadcast %jit3A_54 : f32 to vector<16xf32>
    %broadcast_in_dim3A_57 = vector.broadcast %jit3A_55 : f32 to vector<16xf32>
    %select_n3A_58 = arith.select %ne3A_53, %broadcast_in_dim3A_56, %broadcast_in_dim3A_57 : vector<16xi1>, vector<16xf32>
    %add3A_59 = arith.addf %add3A_47, %select_n3A_58 : vector<16xf32>
    %get3A_60 = arith.constant 80 : index
    %get3A_61 = tpu.vector_load %arg4[%get3A_60] {strides = array<i32>} : memref<256xi32, #tpu.memory_space<vmem>>, vector<16xi32>,
    %get3A_62 = vector.shape_cast %get3A_61 : vector<16xi32> to vector<16xi32>
    %ne3A_63 = arith.constant 1 : i32
    %ne3A_64 = vector.broadcast %ne3A_63 : i32 to vector<16xi32>
    %ne3A_65 = arith.cmpi ne, %get3A_62, %ne3A_64 : vector<16xi32>
    %jit3A_66 = arith.constant 1.000000e+00 : f32
    %jit3A_67 = arith.constant 0.000000e+00 : f32
    %broadcast_in_dim3A_68 = vector.broadcast %jit3A_66 : f32 to vector<16xf32>
    %broadcast_in_dim3A_69 = vector.broadcast %jit3A_67 : f32 to vector<16xf32>
    %select_n3A_70 = arith.select %ne3A_65, %broadcast_in_dim3A_68, %broadcast_in_dim3A_69 : vector<16xi1>, vector<16xf32>
    %add3A_71 = arith.addf %add3A_59, %select_n3A_70 : vector<16xf32>
    %get3A_72 = arith.constant 96 : index
    %get3A_73 = tpu.vector_load %arg4[%get3A_72] {strides = array<i32>} : memref<256xi32, #tpu.memory_space<vmem>>, vector<16xi32>,
    %get3A_74 = vector.shape_cast %get3A_73 : vector<16xi32> to vector<16xi32>
    %ne3A_75 = arith.constant 1 : i32
    %ne3A_76 = vector.broadcast %ne3A_75 : i32 to vector<16xi32>
    %ne3A_77 = arith.cmpi ne, %get3A_74, %ne3A_76 : vector<16xi32>
    %jit3A_78 = arith.constant 1.000000e+00 : f32
    %jit3A_79 = arith.constant 0.000000e+00 : f32
    %broadcast_in_dim3A_80 = vector.broadcast %jit3A_78 : f32 to vector<16xf32>
    %broadcast_in_dim3A_81 = vector.broadcast %jit3A_79 : f32 to vector<16xf32>
    %select_n3A_82 = arith.select %ne3A_77, %broadcast_in_dim3A_80, %broadcast_in_dim3A_81 : vector<16xi1>, vector<16xf32>
    %add3A_83 = arith.addf %add3A_71, %select_n3A_82 : vector<16xf32>
    %get3A_84 = arith.constant 112 : index
    %get3A_85 = tpu.vector_load %arg4[%get3A_84] {strides = array<i32>} : memref<256xi32, #tpu.memory_space<vmem>>, vector<16xi32>,
    %get3A_86 = vector.shape_cast %get3A_85 : vector<16xi32> to vector<16xi32>
    %ne3A_87 = arith.constant 1 : i32
    %ne3A_88 = vector.broadcast %ne3A_87 : i32 to vector<16xi32>
    %ne3A_89 = arith.cmpi ne, %get3A_86, %ne3A_88 : vector<16xi32>
    %jit3A_90 = arith.constant 1.000000e+00 : f32
    %jit3A_91 = arith.constant 0.000000e+00 : f32
    %broadcast_in_dim3A_92 = vector.broadcast %jit3A_90 : f32 to vector<16xf32>
    %broadcast_in_dim3A_93 = vector.broadcast %jit3A_91 : f32 to vector<16xf32>
    %select_n3A_94 = arith.select %ne3A_89, %broadcast_in_dim3A_92, %broadcast_in_dim3A_93 : vector<16xi1>, vector<16xf32>
    %add3A_95 = arith.addf %add3A_83, %select_n3A_94 : vector<16xf32>
    %get3A_96 = arith.constant 128 : index
    %get3A_97 = tpu.vector_load %arg4[%get3A_96] {strides = array<i32>} : memref<256xi32, #tpu.memory_space<vmem>>, vector<16xi32>,
    %get3A_98 = vector.shape_cast %get3A_97 : vector<16xi32> to vector<16xi32>
    %ne3A_99 = arith.constant 1 : i32
    %ne3A_100 = vector.broadcast %ne3A_99 : i32 to vector<16xi32>
    %ne3A_101 = arith.cmpi ne, %get3A_98, %ne3A_100 : vector<16xi32>
    %jit3A_102 = arith.constant 1.000000e+00 : f32
    %jit3A_103 = arith.constant 0.000000e+00 : f32
    %broadcast_in_dim3A_104 = vector.broadcast %jit3A_102 : f32 to vector<16xf32>
    %broadcast_in_dim3A_105 = vector.broadcast %jit3A_103 : f32 to vector<16xf32>
    %select_n3A_106 = arith.select %ne3A_101, %broadcast_in_dim3A_104, %broadcast_in_dim3A_105 : vector<16xi1>, vector<16xf32>
    %add3A_107 = arith.addf %add3A_95, %select_n3A_106 : vector<16xf32>
    %get3A_108 = arith.constant 144 : index
    %get3A_109 = tpu.vector_load %arg4[%get3A_108] {strides = array<i32>} : memref<256xi32, #tpu.memory_space<vmem>>, vector<16xi32>,
    %get3A_110 = vector.shape_cast %get3A_109 : vector<16xi32> to vector<16xi32>
    %ne3A_111 = arith.constant 1 : i32
    %ne3A_112 = vector.broadcast %ne3A_111 : i32 to vector<16xi32>
    %ne3A_113 = arith.cmpi ne, %get3A_110, %ne3A_112 : vector<16xi32>
    %jit3A_114 = arith.constant 1.000000e+00 : f32
    %jit3A_115 = arith.constant 0.000000e+00 : f32
    %broadcast_in_dim3A_116 = vector.broadcast %jit3A_114 : f32 to vector<16xf32>
    %broadcast_in_dim3A_117 = vector.broadcast %jit3A_115 : f32 to vector<16xf32>
    %select_n3A_118 = arith.select %ne3A_113, %broadcast_in_dim3A_116, %broadcast_in_dim3A_117 : vector<16xi1>, vector<16xf32>
    %add3A_119 = arith.addf %add3A_107, %select_n3A_118 : vector<16xf32>
    %get3A_120 = arith.constant 160 : index
    %get3A_121 = tpu.vector_load %arg4[%get3A_120] {strides = array<i32>} : memref<256xi32, #tpu.memory_space<vmem>>, vector<16xi32>,
    %get3A_122 = vector.shape_cast %get3A_121 : vector<16xi32> to vector<16xi32>
    %ne3A_123 = arith.constant 1 : i32
    %ne3A_124 = vector.broadcast %ne3A_123 : i32 to vector<16xi32>
    %ne3A_125 = arith.cmpi ne, %get3A_122, %ne3A_124 : vector<16xi32>
    %jit3A_126 = arith.constant 1.000000e+00 : f32
    %jit3A_127 = arith.constant 0.000000e+00 : f32
    %broadcast_in_dim3A_128 = vector.broadcast %jit3A_126 : f32 to vector<16xf32>
    %broadcast_in_dim3A_129 = vector.broadcast %jit3A_127 : f32 to vector<16xf32>
    %select_n3A_130 = arith.select %ne3A_125, %broadcast_in_dim3A_128, %broadcast_in_dim3A_129 : vector<16xi1>, vector<16xf32>
    %add3A_131 = arith.addf %add3A_119, %select_n3A_130 : vector<16xf32>
    %get3A_132 = arith.constant 176 : index
    %get3A_133 = tpu.vector_load %arg4[%get3A_132] {strides = array<i32>} : memref<256xi32, #tpu.memory_space<vmem>>, vector<16xi32>,
    %get3A_134 = vector.shape_cast %get3A_133 : vector<16xi32> to vector<16xi32>
    %ne3A_135 = arith.constant 1 : i32
    %ne3A_136 = vector.broadcast %ne3A_135 : i32 to vector<16xi32>
    %ne3A_137 = arith.cmpi ne, %get3A_134, %ne3A_136 : vector<16xi32>
    %jit3A_138 = arith.constant 1.000000e+00 : f32
    %jit3A_139 = arith.constant 0.000000e+00 : f32
    %broadcast_in_dim3A_140 = vector.broadcast %jit3A_138 : f32 to vector<16xf32>
    %broadcast_in_dim3A_141 = vector.broadcast %jit3A_139 : f32 to vector<16xf32>
    %select_n3A_142 = arith.select %ne3A_137, %broadcast_in_dim3A_140, %broadcast_in_dim3A_141 : vector<16xi1>, vector<16xf32>
    %add3A_143 = arith.addf %add3A_131, %select_n3A_142 : vector<16xf32>
    %get3A_144 = arith.constant 192 : index
    %get3A_145 = tpu.vector_load %arg4[%get3A_144] {strides = array<i32>} : memref<256xi32, #tpu.memory_space<vmem>>, vector<16xi32>,
    %get3A_146 = vector.shape_cast %get3A_145 : vector<16xi32> to vector<16xi32>
    %ne3A_147 = arith.constant 1 : i32
    %ne3A_148 = vector.broadcast %ne3A_147 : i32 to vector<16xi32>
    %ne3A_149 = arith.cmpi ne, %get3A_146, %ne3A_148 : vector<16xi32>
    %jit3A_150 = arith.constant 1.000000e+00 : f32
    %jit3A_151 = arith.constant 0.000000e+00 : f32
    %broadcast_in_dim3A_152 = vector.broadcast %jit3A_150 : f32 to vector<16xf32>
    %broadcast_in_dim3A_153 = vector.broadcast %jit3A_151 : f32 to vector<16xf32>
    %select_n3A_154 = arith.select %ne3A_149, %broadcast_in_dim3A_152, %broadcast_in_dim3A_153 : vector<16xi1>, vector<16xf32>
    %add3A_155 = arith.addf %add3A_143, %select_n3A_154 : vector<16xf32>
    %get3A_156 = arith.constant 208 : index
    %get3A_157 = tpu.vector_load %arg4[%get3A_156] {strides = array<i32>} : memref<256xi32, #tpu.memory_space<vmem>>, vector<16xi32>,
    %get3A_158 = vector.shape_cast %get3A_157 : vector<16xi32> to vector<16xi32>
    %ne3A_159 = arith.constant 1 : i32
    %ne3A_160 = vector.broadcast %ne3A_159 : i32 to vector<16xi32>
    %ne3A_161 = arith.cmpi ne, %get3A_158, %ne3A_160 : vector<16xi32>
    %jit3A_162 = arith.constant 1.000000e+00 : f32
    %jit3A_163 = arith.constant 0.000000e+00 : f32
    %broadcast_in_dim3A_164 = vector.broadcast %jit3A_162 : f32 to vector<16xf32>
    %broadcast_in_dim3A_165 = vector.broadcast %jit3A_163 : f32 to vector<16xf32>
    %select_n3A_166 = arith.select %ne3A_161, %broadcast_in_dim3A_164, %broadcast_in_dim3A_165 : vector<16xi1>, vector<16xf32>
    %add3A_167 = arith.addf %add3A_155, %select_n3A_166 : vector<16xf32>
    %get3A_168 = arith.constant 224 : index
    %get3A_169 = tpu.vector_load %arg4[%get3A_168] {strides = array<i32>} : memref<256xi32, #tpu.memory_space<vmem>>, vector<16xi32>,
    %get3A_170 = vector.shape_cast %get3A_169 : vector<16xi32> to vector<16xi32>
    %ne3A_171 = arith.constant 1 : i32
    %ne3A_172 = vector.broadcast %ne3A_171 : i32 to vector<16xi32>
    %ne3A_173 = arith.cmpi ne, %get3A_170, %ne3A_172 : vector<16xi32>
    %jit3A_174 = arith.constant 1.000000e+00 : f32
    %jit3A_175 = arith.constant 0.000000e+00 : f32
    %broadcast_in_dim3A_176 = vector.broadcast %jit3A_174 : f32 to vector<16xf32>
    %broadcast_in_dim3A_177 = vector.broadcast %jit3A_175 : f32 to vector<16xf32>
    %select_n3A_178 = arith.select %ne3A_173, %broadcast_in_dim3A_176, %broadcast_in_dim3A_177 : vector<16xi1>, vector<16xf32>
    %add3A_179 = arith.addf %add3A_167, %select_n3A_178 : vector<16xf32>
    %get3A_180 = arith.constant 240 : index
    %get3A_181 = tpu.vector_load %arg4[%get3A_180] {strides = array<i32>} : memref<256xi32, #tpu.memory_space<vmem>>, vector<16xi32>,
    %get3A_182 = vector.shape_cast %get3A_181 : vector<16xi32> to vector<16xi32>
    %ne3A_183 = arith.constant 1 : i32
    %ne3A_184 = vector.broadcast %ne3A_183 : i32 to vector<16xi32>
    %ne3A_185 = arith.cmpi ne, %get3A_182, %ne3A_184 : vector<16xi32>
    %jit3A_186 = arith.constant 1.000000e+00 : f32
    %jit3A_187 = arith.constant 0.000000e+00 : f32
    %broadcast_in_dim3A_188 = vector.broadcast %jit3A_186 : f32 to vector<16xf32>
    %broadcast_in_dim3A_189 = vector.broadcast %jit3A_187 : f32 to vector<16xf32>
    %select_n3A_190 = arith.select %ne3A_185, %broadcast_in_dim3A_188, %broadcast_in_dim3A_189 : vector<16xi1>, vector<16xf32>
    %add3A_191 = arith.addf %add3A_179, %select_n3A_190 : vector<16xf32>
    %swap3A = arith.constant 0 : index
    %swap3A_192 = tpu.vector_load %arg5[%swap3A] {strides = array<i32>} : memref<16xf32, #tpu.memory_space<vmem>>, vector<16xf32>,
    %swap3A_193 = vector.shape_cast %swap3A_192 : vector<16xf32> to vector<16xf32>
    %swap3A_194 = vector.shape_cast %add3A_191 : vector<16xf32> to vector<16xf32>
    tpu.vector_store %arg5[%swap3A], %swap3A_194 {strides = array<i32>} : memref<16xf32, #tpu.memory_space<vmem>>, vector<16xf32>,
    %mul3A_195 = arith.constant 16 : i32
    %mul3A_196 = arith.muli %add3A, %mul3A_195 : i32
    "tpu.region"() ({
      %run_scoped3A = tpu.sem_alloc : memref<!tpu.dma_semaphore, #tpu.memory_space<semaphore_mem>>
      %dma_start3A = tpu.memref_slice %arg3[%mul3A_196] : memref<512xf32, #tpu.memory_space<hbm>> -> memref<16xf32, #tpu.memory_space<hbm>>
      %dma_start3A_197 = tpu.memref_slice %arg3[%mul3A_196] : memref<512xf32, #tpu.memory_space<hbm>> -> memref<16xf32, #tpu.memory_space<hbm>>
      tpu.enqueue_dma source(%arg5 : memref<16xf32, #tpu.memory_space<vmem>>) target(%dma_start3A_197 : memref<16xf32, #tpu.memory_space<hbm>>) target_semaphore(%run_scoped3A : memref<!tpu.dma_semaphore, #tpu.memory_space<semaphore_mem>>)
      %dma_wait3A = tpu.memref_slice %arg3[%mul3A_196] : memref<512xf32, #tpu.memory_space<hbm>> -> memref<16xf32, #tpu.memory_space<hbm>>
      %dma_wait3A_198 = tpu.memref_slice %arg3[%mul3A_196] : memref<512xf32, #tpu.memory_space<hbm>> -> memref<16xf32, #tpu.memory_space<hbm>>
      tpu.wait_dma2 semaphore(%run_scoped3A : memref<!tpu.dma_semaphore, #tpu.memory_space<semaphore_mem>>) src(%arg5 : memref<16xf32, #tpu.memory_space<vmem>>) dst(%dma_wait3A_198 : memref<16xf32, #tpu.memory_space<hbm>>)
      tpu.yield
    }) : () -> ()
    return
  }
}

module attributes {stable_mosaic.version = 14 : i64} {
  func.func @_tc_kernel(%arg0: i32, %arg1: memref<1x1x256xi32, #tpu.memory_space<vmem>>, %arg2: memref<256x8192xf32, #tpu.memory_space<vmem>>, %arg3: memref<1x1xf32, #tpu.memory_space<smem>>) attributes {dimension_semantics = [#tpu.dimension_semantics<arbitrary>], iteration_bounds = array<i64: 32>, scalar_prefetch = 0 : i64, scratch_operands = 0 : i64, tpu.core_type = #tpu.core_type<tc>, window_params = [{transform_indices = @transform_0, window_bounds = array<i64: 1, 1, 256>}, {transform_indices = @transform_1, window_bounds = array<i64: 256, 8192>}, {transform_indices = @transform_2, window_bounds = array<i64: 1, 1>}]} {
    %eq3A = arith.constant 0 : i32
    %eq3A_0 = arith.cmpi eq, %arg0, %eq3A : i32
    %convert_element_type3A = arith.extui %eq3A_0 : i1 to i32
    %cond3A = arith.constant 0 : i32
    %cond3A_1 = arith.cmpi ne, %convert_element_type3A, %cond3A : i32
    scf.if %cond3A_1 {
      %swap3A_46 = arith.constant 0.000000e+00 : f32
      %swap3A_47 = arith.constant 0 : index
      %swap3A_48 = arith.constant 0 : index
      %swap3A_49 = memref.load %arg3[%swap3A_47, %swap3A_48] : memref<1x1xf32, #tpu.memory_space<smem>>
      memref.store %swap3A_46, %arg3[%swap3A_47, %swap3A_48] : memref<1x1xf32, #tpu.memory_space<smem>>
    } else {
    }
    %get3A = arith.constant 0 : index
    %get3A_2 = arith.constant 0 : index
    %get3A_3 = vector.load %arg2[%get3A, %get3A_2] : memref<256x8192xf32, #tpu.memory_space<vmem>>, vector<256x8192xf32>
    %get3A_4 = arith.constant 0 : index
    %get3A_5 = arith.constant 0 : index
    %get3A_6 = arith.constant 0 : index
    %get3A_7 = vector.load %arg1[%get3A_4, %get3A_5, %get3A_6] : memref<1x1x256xi32, #tpu.memory_space<vmem>>, vector<1x1x256xi32>
    %get3A_8 = vector.shape_cast %get3A_7 : vector<1x1x256xi32> to vector<256xi32>
    %reduce_max3A = arith.constant dense<0xFF800000> : vector<256xf32>
    %reduce_max3A_9 = vector.multi_reduction <maximumf>, %get3A_3, %reduce_max3A [1] : vector<256x8192xf32> to vector<256xf32>
    %broadcast_in_dim3A = vector.shape_cast %reduce_max3A_9 : vector<256xf32> to vector<256x1xf32>
    %sub3A = vector.broadcast %broadcast_in_dim3A : vector<256x1xf32> to vector<256x8192xf32>
    %sub3A_10 = arith.subf %get3A_3, %sub3A : vector<256x8192xf32>
    %exp3A = math.exp %sub3A_10 : vector<256x8192xf32>
    %reduce_sum3A = arith.constant dense<0.000000e+00> : vector<256xf32>
    %reduce_sum3A_11 = vector.multi_reduction <add>, %exp3A, %reduce_sum3A [1] : vector<256x8192xf32> to vector<256xf32>
    %squeeze3A = vector.shape_cast %broadcast_in_dim3A : vector<256x1xf32> to vector<256xf32>
    %log3A = math.log %reduce_sum3A_11 : vector<256xf32>
    %add3A = arith.addf %squeeze3A, %log3A : vector<256xf32>
    %reduce_sum3A_12 = arith.constant dense<0.000000e+00> : vector<256xf32>
    %reduce_sum3A_13 = vector.multi_reduction <add>, %get3A_3, %reduce_sum3A_12 [1] : vector<256x8192xf32> to vector<256xf32>
    %iota3A = tpu.iota {dimensions = array<i32: 1>} : vector<256x8192xi32>
    %broadcast_in_dim3A_14 = vector.shape_cast %get3A_8 : vector<256xi32> to vector<256x1xi32>
    %eq3A_15 = vector.broadcast %broadcast_in_dim3A_14 : vector<256x1xi32> to vector<256x8192xi32>
    %eq3A_16 = arith.cmpi eq, %iota3A, %eq3A_15 : vector<256x8192xi32>
    %jit3A = arith.constant 0.000000e+00 : f32
    %broadcast_in_dim3A_17 = vector.broadcast %jit3A : f32 to vector<256x8192xf32>
    %select_n3A = arith.select %eq3A_16, %get3A_3, %broadcast_in_dim3A_17 : vector<256x8192xi1>, vector<256x8192xf32>
    %reduce_sum3A_18 = arith.constant dense<0.000000e+00> : vector<256xf32>
    %reduce_sum3A_19 = vector.multi_reduction <add>, %select_n3A, %reduce_sum3A_18 [1] : vector<256x8192xf32> to vector<256xf32>
    %ne3A = arith.constant 1 : i32
    %ne3A_20 = vector.broadcast %ne3A : i32 to vector<256xi32>
    %ne3A_21 = arith.cmpi ne, %get3A_8, %ne3A_20 : vector<256xi32>
    %convert_element_type3A_22 = arith.extui %ne3A_21 : vector<256xi1> to vector<256xi32>
    %convert_element_type3A_23 = arith.sitofp %convert_element_type3A_22 : vector<256xi32> to vector<256xf32>
    %add3A_24 = arith.constant -1.22616208 : f32
    %add3A_25 = vector.broadcast %add3A_24 : f32 to vector<256xf32>
    %add3A_26 = arith.addf %add3A_25, %add3A : vector<256xf32>
    %mul3A = arith.constant 1.22085212E-5 : f32
    %mul3A_27 = vector.broadcast %mul3A : f32 to vector<256xf32>
    %mul3A_28 = arith.mulf %mul3A_27, %reduce_sum3A_13 : vector<256xf32>
    %sub3A_29 = arith.subf %add3A_26, %mul3A_28 : vector<256xf32>
    %mul3A_30 = arith.constant 0.899987816 : f32
    %mul3A_31 = vector.broadcast %mul3A_30 : f32 to vector<256xf32>
    %mul3A_32 = arith.mulf %mul3A_31, %reduce_sum3A_19 : vector<256xf32>
    %sub3A_33 = arith.subf %sub3A_29, %mul3A_32 : vector<256xf32>
    %get3A_34 = arith.constant 0 : index
    %get3A_35 = arith.constant 0 : index
    %get3A_36 = memref.load %arg3[%get3A_34, %get3A_35] : memref<1x1xf32, #tpu.memory_space<smem>>
    %mul3A_37 = arith.mulf %sub3A_33, %convert_element_type3A_23 : vector<256xf32>
    %reduce_sum3A_38 = vector.shape_cast %mul3A_37 : vector<256xf32> to vector<1x256xf32>
    %reduce_sum3A_39 = arith.constant dense<0.000000e+00> : vector<1xf32>
    %reduce_sum3A_40 = vector.multi_reduction <add>, %reduce_sum3A_38, %reduce_sum3A_39 [1] : vector<1x256xf32> to vector<1xf32>
    %reduce_sum3A_41 = vector.shape_cast %reduce_sum3A_40 : vector<1xf32> to vector<1x1xf32>
    %reduce_sum3A_42 = vector.extract %reduce_sum3A_41[0, 0] : f32 from vector<1x1xf32>
    %add3A_43 = arith.addf %get3A_36, %reduce_sum3A_42 : f32
    %swap3A = arith.constant 0 : index
    %swap3A_44 = arith.constant 0 : index
    %swap3A_45 = memref.load %arg3[%swap3A, %swap3A_44] : memref<1x1xf32, #tpu.memory_space<smem>>
    memref.store %add3A_43, %arg3[%swap3A, %swap3A_44] : memref<1x1xf32, #tpu.memory_space<smem>>
    return
  }
  func.func @transform_0(%arg0: i32) -> (i32, i32, i32) {
    %c0_i32 = arith.constant 0 : i32
    %c0_i32_0 = arith.constant 0 : i32
    %c0_i32_1 = arith.constant 0 : i32
    return %arg0, %c0_i32, %c0_i32_0 : i32, i32, i32
  }
  func.func @transform_1(%arg0: i32) -> (i32, i32) {
    %c0_i32 = arith.constant 0 : i32
    %c0_i32_0 = arith.constant 0 : i32
    return %arg0, %c0_i32 : i32, i32
  }
  func.func @transform_2(%arg0: i32) -> (i32, i32) {
    %c0_i32 = arith.constant 0 : i32
    %c0_i32_0 = arith.constant 0 : i32
    %c0_i32_1 = arith.constant 0 : i32
    return %c0_i32, %c0_i32_0 : i32, i32
  }
}

</mosaic_0001>

<sc_bundles>
// kernel: kernel.4.cloned.1.call-start
scs
__scs_entry_jumppad:
0x0: {  	(pc) =	sbr.rel $0x88, $3  }
0x1: {  	(tag) =	ssettag $0x0;
	lr =	simm.s32 $0x1  }
0x2: {  	[smem:$0x3F9F] =	sst lr;
	_ =	strace $0xD0000000  }
0x3: {  	_ = 	snop  }
0x4: {  	_ = 	snop  }
0x5: {  	_ = 	snop  }
0x6: {  	_ = 	snop  }
0x7: {  	_ = 	snop  }
__scs_overlays_trampoline_lowered:
0x8: {  	[smem:$0x3FAE] =	sst s0  }
0x9: {  	[smem:$0x3FAF] =	sst s1  }
0xa: {  	[smem:$0x3FB0] =	sst s2  }
0xb: {  	[smem:$0x3FB1] =	sst s3  }
0xc: {  	[smem:$0x3FB2] =	sst s4  }
0xd: {  	[smem:$0x3FB3] =	sst s5  }
0xe: {  	[smem:$0x3FB4] =	sst s6  }
0xf: {  	[smem:$0x3FB5] =	sst s7  }
0x10: {  	[smem:$0x3FB6] =	sst s8  }
0x11: {  	[smem:$0x3FB7] =	sst s9;
	s0 =	simm.s32 @!p0 $0x0  }
0x12: {  	s1 =	sld [smem:$0x3F9D];
	s0 =	simm.s32 @p0 $0x1  }
0x13: {  	[smem:$0x3FB8] =	sst s0;
	s0 =	simm.s32 @!p1 $0x0  }
0x14: {  	s2 =	sld [smem:$0x3F9C];
	s0 =	simm.s32 @p1 $0x1  }
0x15: {  	[smem:$0x3FB9] =	sst s0;
	s0 =	simm.s32 @!p2 $0x0  }
0x16: {  	s3 =	sld [smem:$0x3FDB];
	s0 =	simm.s32 @p2 $0x1  }
0x17: {  	s4 =	simm.s32 $0x1BF5;
	[smem:$0x3FBB] =	sst s0  }
0x18: {  	s0 =	sld [smem:$0x3F9E];
	_ =	swait.ge [sflag:s4], $0x0  }
0x19: {  	s7 =	sld [smem:$0x3F9F]  }
0x1a: {  	s8 =	sadd.s32 $0xFFFFE003, lr  }
0x1b: {  	s9 =	sadd.s32 $0xFFFFFEF7, lr;
	s5 =	simm.s32 $0xFFFFFFFF;
	p2 =	slt.u32 s8, $0xFFFFF086  }
0x1c: {  	p1 =	slt.u32 s9, $0xF7A;
	s5 =	simm.s32 @!p2 $0x0  }
0x1d: {  	s5 =	simm.s32 @p1 $0x1;
	p0 =	seq.s32 s7, s2  }
0x1e: {  	s7 =	smul.u32 @!p0 $0xF7A, s2;
	p2 =	seq.s32 @!p0 s5, $0x0  }
0x1f: {  	s9 =	smul.u32 $0xF7A, s1;
	s8 =	simm.s32 @!p0 $0x1BF5;
	p2 =	por !p2, p0  }
0x20: {  	[sflag:s8] =	ssyncset.s32 @!p0 $0xFFFFF086;
	s6 =	sadd.s32 @!p0 s3, s7;
	s7 =	simm.s32 @!p0 $0x108  }
0x21: {  	s3 =	sadd.s32 s3, s9;
	s6 =	sadd.s32 @!p0 $0x88, s6;
	s7 =	simm.s32 @p2 $0x1082  }
0x22: {  	[simem:s7], [sflag:s8] =	dma.local @!p0 [hbm:s6], $0xF7A  }
0x23: {  	s9 =	sor.u32 $0xD0000000, s2;
	s6 =	simm.s32 $0x108;
	_ =	swait.ge @!p0 [sflag:s8], $0x0  }
0x24: {  	s3 =	sadd.s32 $0x88, s3;
	s6 =	simm.s32 @!p1 $0x1082;
	[sflag:s4] =	ssyncset.s32 $0xFFFFF086  }
0x25: {  	[simem:s6], [sflag:s4] =	dma.local [hbm:s3], $0xF7A  }
0x26: {  	[smem:$0x3F9F] =	sst s1;
	(tag) =	ssettag s2;
	_ =	strace s9  }
0x27: {  	s1 =	sld [smem:$0x3FAF]  }
0x28: {  	s2 =	sld [smem:$0x3FB0]  }
0x29: {  	s4 =	sld [smem:$0x3FB2]  }
0x2a: {  	p0 =	seq.s32 s5, $0x0;
	s5 =	sld [smem:$0x3FB3]  }
0x2b: {  	s6 =	sld [smem:$0x3FB4]  }
0x2c: {  	s7 =	sld [smem:$0x3FB5]  }
0x2d: {  	s3 =	simm.s32 $0x108;
	s8 =	sld [smem:$0x3FB6]  }
0x2e: {  	s3 =	simm.s32 @!p0 $0x1082;
	s9 =	sld [smem:$0x3FB7]  }
0x2f: {  	lr =	sadd.s32 s0, s3;
	s0 =	sld [smem:$0x3FAE]  }
0x30: {  	s3 =	sld [smem:$0x3FB1]  }
0x31: {  	[smem:$0x3FBA] =	sst s10  }
0x32: {  	s10 =	sld [smem:$0x3FB8];
	_ =	sdelay $0x3  }
0x33: {  	p0 =	seq.s32 s10, $0x1;
	s10 =	sld [smem:$0x3FBA];
	_ =	sdelay $0x3  }
0x34: {  	[smem:$0x3FBA] =	sst s10  }
0x35: {  	s10 =	sld [smem:$0x3FB9];
	_ =	sdelay $0x3  }
0x36: {  	p1 =	seq.s32 s10, $0x1;
	s10 =	sld [smem:$0x3FBA];
	_ =	sdelay $0x3  }
0x37: {  	[smem:$0x3FBA] =	sst s10  }
0x38: {  	s10 =	sld [smem:$0x3FBB]  }
0x39: {  	_ = 	snop;
	(pc) =	sbr.ind lr, $3  }
0x3a: {  	_ = 	snop  }
0x3b: {  	_ = 	snop  }
0x3c: {  	p2 =	seq.s32 s10, $0x1;
	s10 =	sld [smem:$0x3FBA]  }
0x3d: {  	_ =	shalt  }
0x3e: {  	_ =	shalt  }
0x3f: {  	_ =	shalt  }
0x40: {  	_ =	shalt  }
0x41: {  	_ =	shalt  }
0x42: {  	_ =	shalt  }
0x43: {  	_ =	shalt  }
0x44: {  	_ =	shalt  }
0x45: {  	_ =	shalt  }
0x46: {  	_ =	shalt  }
0x47: {  	_ =	shalt  }
0x48: {  	_ =	shalt  }
0x49: {  	_ =	shalt  }
0x4a: {  	_ =	shalt  }
0x4b: {  	_ =	shalt  }
0x4c: {  	_ =	shalt  }
0x4d: {  	_ =	shalt  }
0x4e: {  	_ =	shalt  }
0x4f: {  	_ =	shalt  }
0x50: {  	_ =	shalt  }
0x51: {  	_ =	shalt  }
0x52: {  	_ =	shalt  }
0x53: {  	_ =	shalt  }
0x54: {  	_ =	shalt  }
0x55: {  	_ =	shalt  }
0x56: {  	_ =	shalt  }
0x57: {  	_ =	shalt  }
0x58: {  	_ =	shalt  }
0x59: {  	_ =	shalt  }
0x5a: {  	_ =	shalt  }
0x5b: {  	_ =	shalt  }
0x5c: {  	_ =	shalt  }
0x5d: {  	_ =	shalt  }
0x5e: {  	_ =	shalt  }
0x5f: {  	_ =	shalt  }
0x60: {  	_ =	shalt  }
0x61: {  	_ =	shalt  }
0x62: {  	_ =	shalt  }
0x63: {  	_ =	shalt  }
0x64: {  	_ =	shalt  }
0x65: {  	_ =	shalt  }
0x66: {  	_ =	shalt  }
0x67: {  	_ =	shalt  }
0x68: {  	_ =	shalt  }
0x69: {  	_ =	shalt  }
0x6a: {  	_ =	shalt  }
0x6b: {  	_ =	shalt  }
0x6c: {  	_ =	shalt  }
0x6d: {  	_ =	shalt  }
0x6e: {  	_ =	shalt  }
0x6f: {  	_ =	shalt  }
0x70: {  	_ =	shalt  }
0x71: {  	_ =	shalt  }
0x72: {  	_ =	shalt  }
0x73: {  	_ =	shalt  }
0x74: {  	_ =	shalt  }
0x75: {  	_ =	shalt  }
0x76: {  	_ =	shalt  }
0x77: {  	_ =	shalt  }
0x78: {  	_ =	shalt  }
0x79: {  	_ =	shalt  }
0x7a: {  	_ =	shalt  }
0x7b: {  	_ =	shalt  }
0x7c: {  	_ =	shalt  }
0x7d: {  	_ =	shalt  }
0x7e: {  	_ =	shalt  }
0x7f: {  	_ =	shalt  }
0x80: {  	_ =	shalt  }
0x81: {  	_ =	shalt  }
0x82: {  	_ =	shalt  }
0x83: {  	_ =	shalt  }
0x84: {  	_ =	shalt  }
0x85: {  	_ =	shalt  }
0x86: {  	_ =	shalt  }
0x87: {  	_ =	shalt  }
.Lfunc_end0:
.L_simem_size_0:
called_computation_lowered:
.L_overlay_start_0:
0x88: {  	s2 =	sld [smem:$0x3FD9]  }
0x89: {  	s3 =	sld [smem:$0x3FFE];
	_ =	sdelay $0x1  }
0x8a: {  	s1 =	srdreg.scid  }
0x8b: {  	s0 =	sand.u32 $0x1, s1  }
0x8c: {  	s16 =	sshll.u32 s0, $0xA;
	s2 =	sadd.s32 s3, s2  }
0x8d: {  	s2 =	sadd.s32 s2, s16  }
0x8e: {  	[smem:$0x3FC6] =	sst s2  }
0x8f: {  	_ = 	snop  }
0x90: {  	(tm) =	ssettm $0x1  }
0x91: {  	s17 =	sld [smem:$0x3FFB];
	_ =	sdelay $0x3  }
0x92: {  	_ =	strace s17  }
0x93: {  	s2 =	sld [smem:$0x3FFC];
	_ =	sdelay $0x3  }
0x94: {  	_ =	strace s2  }
0x95: {  	s2 =	sld [smem:$0x3FFD];
	_ =	sdelay $0x3  }
0x96: {  	_ =	strace s2  }
0x97: {  	_ =	strace $0x8FFFFFFF  }
0x98: {  	s18 =	sld [smem:$0x3FDB];
	_ =	sdelay $0x1  }
0x99: {  	s19 =	simm.s32 $_scs_section_size  }
0x9a: {  	s4 =	simm.s32 $_size__tile_overlayer_lowered;
	s5 =	simm.s32 $_tile_overlayer_lowered  }
0x9b: {  	s22 =	simm.s32 $0x1BFF;
	s21 =	sshll.u32 s5, $0x1;
	s2 =	sadd.s32 s19, s18  }
0x9c: {  	s6 =	simm.s32 $0x0;
	s20 =	sshll.u32 s4, $0x1;
	s4 =	sadd.s32 s21, s2  }
0x9d: {  	[timem:s6], [sflag:s22] =	dma.local [hbm:s4], s20  }
0x9e: {  	_ =	swait.ge [sflag:s22], s20  }
0x9f: {  	s3 =	ssub.s32 $0x0, s20;
	[sflag:s22] =	ssyncset.done $0x0  }
0xa0: {  	[sflag:s22] =	ssyncadd.s32 s3;
	_ =	sdelay $0x1  }
0xa1: {  	s23 =	simm.s32 $0x1B8B  }
0xa2: {  	_ =	swait.ge [sflag:s23], $0x1  }
0xa3: {  	[sflag:s23] =	ssyncset.done $0x0  }
0xa4: {  	s25 =	simm.s32 $0x1B8E;
	s24 =	sld [smem:$0x3FFE];
	[sflag:s23] =	ssyncadd.s32 $0xFFFFFFFF  }
0xa5: {  	s26 =	simm.s32 $execute0_lowered;
	[smem:$0x3FD2] =	sst s25  }
0xa6: {  	s4 =	sshll.u32 s26, $0x1;
	_ =	strace $0x80000046;
	[dreg:$0x1] =	wrdreg $0xFFFFFFFF  }
0xa7: {  	s28 =	simm.s32 $_size_execute0_lowered;
	s2 =	sadd.s32 s2, s4;
	[dreg:$0x0] =	wrdreg $0x0  }
0xa8: {  	s4 =	sshll.u32 s28, $0x1;
	[dreg:$0x2] =	wrdreg s2  }
0xa9: {  	[dreg:$0x3] =	wrdreg s4  }
0xaa: {  	[dreg:$0x4] =	wrdreg $0xC0  }
0xab: {  	_ =	task [dreg:s6], $0x5FFFF  }
0xac: {  	[dreg:$0x1] =	wrdreg $0xFFFFFFFF  }
0xad: {  	[dreg:$0x0] =	wrdreg $0x60  }
0xae: {  	[dreg:$0x2] =	wrdreg s24  }
0xaf: {  	[dreg:$0x3] =	wrdreg $0x9  }
0xb0: {  	_ =	task.clear_ibuf [dreg:s6], $0x4FFFF;
	_ =	strace $0x90000046  }
0xb1: {  	s29 =	simm.s32 $0x9;
	_ =	strace $0x80000048  }
0xb2: {  	_ =	swait.ge [sflag:s29], $0x1  }
0xb3: {  	[sflag:s29] =	ssyncadd.s32 $0xFFFFFFFF  }
0xb4: {  	_ =	strace $0x90000048  }
0xb5: {  	_ =	sfence  }
0xb6: {  	s30 =	sld [smem:$0x0];
	_ =	sdelay $0x2  }
0xb7: {  	s31 =	sshll.u32 s1, $0xD;
	s1 =	sshrl.u32 s1, $0x2  }
0xb8: {  	s3 =	sand.u32 $0x4000, s31;
	s1 =	sadd.s32 s1, s30  }
0xb9: {  	s0 =	sor.u32 s3, s0;
	s1 =	sshll.u32 s1, $0x11  }
0xba: {  	s0 =	sor.u32 s1, s0  }
0xbb: {  	s0 =	sadd.s32 $0x8F2B, s0  }
0xbc: {  	[sflag:s0] =	ssyncadd.remote.s32 $0x1  }
0xbd: {  	_ =	sfence.sel $0xFFFF  }
0xbe: {  	[dreg:$0x0] =	wrdreg $0xFFFFFFFF;
	(pc) =	sbr.abs _section_cstart, $3  }
0xbf: {  	[dreg:$0x1] =	wrdreg $0xFFFFFFFF  }
0xc0: {  	_ =	task.clear_ibuf [dreg:s6], $0x2FFFF;
	_ =	strace $0x9FFFFFFF  }
0xc1: {  	(tm) =	ssettm $0x7FFFFFFF  }
tec
execute0_lowered:
.L_overlay_start_1:
0x0: {  	(tag) =	ssettag $0x1  }
0x1: {  	s1 =	srdreg.scid;
	s0 =	stileid.u32  }
0x2: {  	s5 =	rddreg [dreg:$0x0];
	s6 =	sand.u32 $0x1, s1;
	s3 =	sshll.u32 s0, $0x1  }
0x3: {  	s2 =	simm.s32 $0x0;
	s1 =	rddreg [dreg:$0x1];
	s7 =	sor.u32 s6, s3  }
0x4: {  	[smem:$0x7FF] =	sst s2;
	s3 =	sshll.u32 s7, $0x5  }
0x5: {  	_ =	strace $0x80000047;
	s4 =	sadd.s32 s5, s3;
	s3 =	simm.s32 $0x1  }
0x6: {  	[tilespmem:s2], [sflag:$0x1] =	stream.linear.gather [hbm4b:s4+s2], $0x100, $0x38;
	[tilespmem:$0x180] =	vst v63  }
0x7: {  	_ =	swait.ge [sflag:s3], $0x100  }
0x8: {  	[sflag:s3] =	ssyncset.done $0x0  }
0x9: {  	[sflag:s3] =	ssyncadd.s32 $0xFFFFFF00  }
0xa: {  	v1 =	vld [tilespmem:$0x0]  }
0xb: {  	v2 =	vld [tilespmem:$0x10];
	_ =	sdelay $0x1  }
0xc: {  	v3 =	vld [tilespmem:$0x20];
	_ =	sdelay $0x1  }
0xd: {  	v4 =	vld [tilespmem:$0x30]  }
0xe: {  	v0 =	vimm.f32 $1.000000000e+00;
	vm0 =	veq.s32 v1, $0x1;
	vm1 =	veq.s32 v2, $0x1  }
0xf: {  	v1 =	vld [tilespmem:$0x40];
	v2 =	vsel vm0, $0x0, v0;
	v5 =	vsel vm1, $0x0, v0  }
0x10: {  	vm14 =	veq.s32 v3, $0x1;
	v2 =	vadd.f32 v5, v2  }
0x11: {  	v3 =	vld [tilespmem:$0x50];
	v49 =	vsel vm14, $0x0, v0  }
0x12: {  	vm15 =	veq.s32 v4, $0x1;
	v2 =	vadd.f32 v49, v2  }
0x13: {  	v50 =	vld [tilespmem:$0x60];
	v51 =	vsel vm15, $0x0, v0  }
0x14: {  	vm4 =	veq.s32 v1, $0x1;
	v1 =	vadd.f32 v51, v2  }
0x15: {  	v2 =	vld [tilespmem:$0x70];
	v52 =	vsel vm4, $0x0, v0  }
0x16: {  	vm5 =	veq.s32 v3, $0x1;
	v1 =	vadd.f32 v52, v1  }
0x17: {  	v3 =	vld [tilespmem:$0x80];
	v53 =	vsel vm5, $0x0, v0  }
0x18: {  	vm6 =	veq.s32 v50, $0x1;
	v1 =	vadd.f32 v53, v1  }
0x19: {  	v54 =	vld [tilespmem:$0x90];
	v55 =	vsel vm6, $0x0, v0  }
0x1a: {  	vm7 =	veq.s32 v2, $0x1;
	v1 =	vadd.f32 v55, v1  }
0x1b: {  	v2 =	vld [tilespmem:$0xA0];
	v56 =	vsel vm7, $0x0, v0  }
0x1c: {  	vm8 =	veq.s32 v3, $0x1;
	v1 =	vadd.f32 v56, v1  }
0x1d: {  	v3 =	vld [tilespmem:$0xB0];
	v57 =	vsel vm8, $0x0, v0  }
0x1e: {  	vm9 =	veq.s32 v54, $0x1;
	v1 =	vadd.f32 v57, v1  }
0x1f: {  	v58 =	vld [tilespmem:$0xC0];
	v59 =	vsel vm9, $0x0, v0  }
0x20: {  	vm10 =	veq.s32 v2, $0x1;
	v1 =	vadd.f32 v59, v1  }
0x21: {  	v2 =	vld [tilespmem:$0xD0];
	v60 =	vsel vm10, $0x0, v0  }
0x22: {  	vm11 =	veq.s32 v3, $0x1;
	v1 =	vadd.f32 v60, v1  }
0x23: {  	v3 =	vld [tilespmem:$0xE0];
	v61 =	vsel vm11, $0x0, v0  }
0x24: {  	vm12 =	veq.s32 v58, $0x1;
	v1 =	vadd.f32 v61, v1  }
0x25: {  	v62 =	vld [tilespmem:$0xF0];
	v63 =	vsel vm12, $0x0, v0  }
0x26: {  	vm13 =	veq.s32 v2, $0x1;
	v1 =	vadd.f32 v63, v1  }
0x27: {  	s6 =	ssub.s32 $0x2, s6;
	v2 =	vsel vm13, $0x0, v0  }
0x28: {  	s8 =	sshrl.u32 s6, $0x1;
	vm14 =	veq.s32 v3, $0x1;
	v1 =	vadd.f32 v2, v1  }
0x29: {  	s6 =	ssub.s32 s6, s8;
	v2 =	vsel vm14, $0x0, v0  }
0x2a: {  	s31 =	smax.u32 s6, $0x1;
	vm15 =	veq.s32 v62, $0x1;
	v1 =	vadd.f32 v2, v1  }
0x2b: {  	p0 =	sne.s32 s31, $0x1;
	v2 =	vsel vm15, $0x0, v0  }
.Ltmp0:
0x2c: {  	s7 =	sshll.u32 s7, $0x1;
	v1 =	vadd.f32 v2, v1;
	(pc) =	sbr.rel @!p0 .LBB2_2-.Ltmp0, $4  }
0x2d: {  	s5 =	sadd.s32 s7, s5  }
0x2e: {  	s5 =	sadd.s32 $0x400, s5;
	s6 =	simm.s32 $0x100;
	[tilespmem:$0x100] =	vst v1  }
0x2f: {  	[hbm4b:s5+s2] =	stream.linear.scatter [tilespmem:s6], [sflag:$0x1], $0x10, $0x38;
	[tilespmem:$0x180] =	vst v63  }
0x30: {  	s7 =	sadd.s32 $0xFFFFFFFF, s31;
	_ =	swait.ge [sflag:s3], $0x10  }
.LBB2_1:
0x31: {  	p0 =	sne.s32 s7, $0x1;
	s7 =	sadd.s32 $0xFFFFFFFF, s7;
	[sflag:s3] =	ssyncset.done $0x0  }
0x32: {  	[sflag:s3] =	ssyncadd.s32 $0xFFFFFFF0  }
0x33: {  	[tilespmem:s2], [sflag:$0x1] =	stream.linear.gather [hbm4b:s4+s2], $0x100, $0x38;
	[tilespmem:$0x180] =	vst v63  }
0x34: {  	_ =	swait.ge [sflag:s3], $0x100  }
0x35: {  	[sflag:s3] =	ssyncset.done $0x0  }
0x36: {  	[sflag:s3] =	ssyncadd.s32 $0xFFFFFF00  }
0x37: {  	v1 =	vld [tilespmem:$0x0]  }
0x38: {  	v2 =	vld [tilespmem:$0x10]  }
0x39: {  	v3 =	vld [tilespmem:$0x20]  }
0x3a: {  	v4 =	vld [tilespmem:$0x30]  }
0x3b: {  	v5 =	vld [tilespmem:$0x40]  }
0x3c: {  	vm0 =	veq.s32 v1, $0x1;
	v1 =	vld [tilespmem:$0x50]  }
0x3d: {  	v6 =	vsel vm0, $0x0, v0;
	vm0 =	veq.s32 v2, $0x1;
	v2 =	vld [tilespmem:$0x60]  }
0x3e: {  	v7 =	vsel vm0, $0x0, v0;
	vm0 =	veq.s32 v3, $0x1;
	v3 =	vld [tilespmem:$0x70]  }
0x3f: {  	v6 =	vadd.f32 v7, v6;
	v7 =	vsel vm0, $0x0, v0;
	vm0 =	veq.s32 v4, $0x1;
	v4 =	vld [tilespmem:$0x80]  }
0x40: {  	vm1 =	veq.s32 v5, $0x1;
	v5 =	vld [tilespmem:$0x90]  }
0x41: {  	v6 =	vadd.f32 v7, v6;
	v7 =	vsel vm0, $0x0, v0;
	vm0 =	veq.s32 v1, $0x1;
	v1 =	vld [tilespmem:$0xA0]  }
0x42: {  	vm2 =	veq.s32 v2, $0x1;
	v2 =	vld [tilespmem:$0xB0]  }
0x43: {  	v6 =	vadd.f32 v7, v6;
	v7 =	vsel vm1, $0x0, v0;
	vm1 =	veq.s32 v3, $0x1;
	v3 =	vld [tilespmem:$0xC0]  }
0x44: {  	vm3 =	veq.s32 v4, $0x1;
	v4 =	vld [tilespmem:$0xD0]  }
0x45: {  	v6 =	vadd.f32 v7, v6;
	v7 =	vsel vm0, $0x0, v0;
	vm0 =	veq.s32 v5, $0x1;
	v5 =	vld [tilespmem:$0xE0]  }
0x46: {  	vm4 =	veq.s32 v1, $0x1;
	v1 =	vld [tilespmem:$0xF0]  }
0x47: {  	v6 =	vadd.f32 v7, v6;
	v7 =	vsel vm2, $0x0, v0;
	vm2 =	veq.s32 v2, $0x1  }
0x48: {  	vm5 =	veq.s32 v3, $0x1  }
0x49: {  	v3 =	vsel vm1, $0x0, v0;
	v2 =	vadd.f32 v7, v6;
	vm1 =	veq.s32 v4, $0x1  }
0x4a: {  	vm6 =	veq.s32 v5, $0x1  }
0x4b: {  	v2 =	vadd.f32 v3, v2;
	v3 =	vsel vm3, $0x0, v0;
	vm3 =	veq.s32 v1, $0x1;
	_ =	sdelay $0x1  }
0x4c: {  	v1 =	vadd.f32 v3, v2;
	v2 =	vsel vm0, $0x0, v0;
	_ =	sdelay $0x1  }
0x4d: {  	v1 =	vadd.f32 v2, v1;
	v2 =	vsel vm4, $0x0, v0;
	_ =	sdelay $0x1  }
0x4e: {  	v1 =	vadd.f32 v2, v1;
	v2 =	vsel vm2, $0x0, v0;
	_ =	sdelay $0x1  }
0x4f: {  	v1 =	vadd.f32 v2, v1;
	v2 =	vsel vm5, $0x0, v0;
	_ =	sdelay $0x1  }
0x50: {  	v1 =	vadd.f32 v2, v1;
	v2 =	vsel vm1, $0x0, v0;
	_ =	sdelay $0x1  }
0x51: {  	v1 =	vadd.f32 v2, v1;
	v2 =	vsel vm6, $0x0, v0;
	_ =	sdelay $0x1  }
0x52: {  	v1 =	vadd.f32 v2, v1;
	v2 =	vsel vm3, $0x0, v0;
	_ =	sdelay $0x1  }
.Ltmp1:
0x53: {  	v1 =	vadd.f32 v2, v1;
	(pc) =	sbr.rel @p0 .LBB2_1-.Ltmp1, $4  }
0x54: {  	_ = 	snop  }
0x55: {  	[tilespmem:$0x100] =	vst v1  }
0x56: {  	[hbm4b:s5+s2] =	stream.linear.scatter [tilespmem:s6], [sflag:$0x1], $0x10, $0x38;
	[tilespmem:$0x180] =	vst v63  }
0x57: {  	_ =	swait.ge [sflag:s3], $0x10  }
.LBB2_2:
0x58: {  	[sflag:s3] =	ssyncset.done $0x0  }
0x59: {  	[sflag:s3] =	ssyncadd.s32 $0xFFFFFFF0  }
0x5a: {  	_ =	sfence.sel $0x180000  }
0x5b: {  	[bflag:$0x0] =	sbarrier.arrive $0xFFFF  }
0x5c: {  	p0 =	sne.s32 s0, $0x0;
	_ =	strace $0x90000047  }
0x5d: {  	s0 =	sadd.s32 @!p0 $0x100000, s1;
	[bflag:$0x2] =	sbarrier.arrive $0xFFFF  }
0x5e: {  	[sflag:s0] =	ssyncadd.tile.s32 @!p0 $0x1;
	_ =	shalt  }
.Lfunc_end2:
_tile_overlayer_lowered:
.L_overlay_start_2:
0x5f: {  	(tag) =	ssettag $0x2  }
0x60: {  	s0 =	rddreg [dreg:$0x0];
	s2 =	stileid.u32  }
0x61: {  	s1 =	rddreg [dreg:$0x1];
	p0 =	sne.s32 s2, $0x0  }
0x62: {  	s3 =	rddreg [dreg:$0x2];
	[bflag:$0x3] =	sbarrier.arrive $0xFFFF;
	s2 =	simm.s32 @!p0 $0x1C01  }
0x63: {  	[timem:s3], [sflag:s2] =	dma.local @!p0 [hbm:s0], s1  }
0x64: {  	s0 =	simm.s32 @!p0 $0x1  }
0x65: {  	_ =	swait.ge @!p0 [sflag:s0], s1  }
0x66: {  	s1 =	ssub.s32 @!p0 $0x0, s1;
	[sflag:s0] =	ssyncset.done @!p0 $0x0  }
0x67: {  	[sflag:s0] =	ssyncadd.s32 @!p0 s1  }
0x68: {  	[bflag:$0x3] =	sbarrier.arrive $0xFFFF  }
0x69: {  	_ =	shalt  }

</sc_bundles>
